<compile_context>
chip_gen: v7x
topology: tpu7x:2x2x1
jax: 0.10.2.dev20260603
libtpu: 0.0.44.dev20260713+nightly
codegen_flags: <defaults>
</compile_context>

<pallas_src>
import functools

import jax
import jax.numpy as jnp
from jax import lax
from jax.experimental import pallas as pl
from jax.experimental.pallas import tpu as pltpu
from jax.experimental.pallas import tpu_sc as plsc

NUM_STEPS = 1000
DIM = 128
BATCH = 16384

NC = 2
NS = 16
NW = NC * NS
B_PER_W = BATCH // NW
CHUNK = 128
N_CHUNKS = B_PER_W // CHUNK


def _mlp_body(emb_ref, w1_ref, b1_ref, w2_ref, b2_ref, out_ref):
    x = emb_ref[...]
    h = jnp.dot(x, w1_ref[...], preferred_element_type=jnp.float32) + b1_ref[...]
    h = h * (1.0 / (1.0 + jnp.exp(-h)))
    h = jnp.dot(h, w2_ref[...], preferred_element_type=jnp.float32) + b2_ref[...]
    out_ref[...] = h * (1.0 / (1.0 + jnp.exp(-h)))


def _transform_table(embedding, W1, b1, W2, b2):
    return pl.pallas_call(
        _mlp_body,
        out_shape=jax.ShapeDtypeStruct((NUM_STEPS, DIM), jnp.float32),
    )(embedding, W1, b1.reshape(1, DIM), W2, b2.reshape(1, DIM))


def _gather_body(table_hbm, idx_hbm, out_hbm, idx_v, rows_v, table_sp, gsem, ssem, tsem):
    s = lax.axis_index("s")
    wid = s * NC + lax.axis_index("c")
    base = wid * B_PER_W
    @pl.when(s == 0)
    def _stage_table():
        pltpu.async_copy(table_hbm, table_sp, tsem)

    pltpu.sync_copy(idx_hbm.at[pl.ds(wid * N_CHUNKS, N_CHUNKS)], idx_v)

    @pl.when(s == 0)
    def _wait_table():
        pltpu.make_async_copy(table_hbm, table_sp, tsem).wait()

    plsc.subcore_barrier()
    gathers = [
        pltpu.async_copy(
            table_sp.at[idx_v.at[j]],
            rows_v.at[pl.ds(j * CHUNK, CHUNK)],
            gsem.at[j],
        )
        for j in range(N_CHUNKS)
    ]
    scatters = []
    for j in range(N_CHUNKS):
        gathers[j].wait()
        scatters.append(
            pltpu.async_copy(
                rows_v.at[pl.ds(j * CHUNK, CHUNK)],
                out_hbm.at[pl.ds(base + j * CHUNK, CHUNK)],
                ssem.at[j],
            )
        )
    for c in scatters:
        c.wait()


@functools.partial(
    pl.kernel,
    mesh=plsc.VectorSubcoreMesh(core_axis_name="c", subcore_axis_name="s"),
    out_type=jax.ShapeDtypeStruct((BATCH, DIM), jnp.float32),
    scratch_types=[
        pltpu.VMEM((N_CHUNKS, CHUNK), jnp.int32),
        pltpu.VMEM((B_PER_W, DIM), jnp.float32),
        pltpu.VMEM_SHARED((NUM_STEPS, DIM), jnp.float32),
        pltpu.SemaphoreType.DMA((N_CHUNKS,)),
        pltpu.SemaphoreType.DMA((N_CHUNKS,)),
        pltpu.SemaphoreType.DMA,
    ],
)
def _sc_gather(table_hbm, idx_hbm, out_hbm, idx_v, rows_v, table_sp, gsem, ssem, tsem):
    _gather_body(table_hbm, idx_hbm, out_hbm, idx_v, rows_v, table_sp, gsem, ssem, tsem)


def kernel(diffusion_step, embedding, W1, b1, W2, b2):
    table = _transform_table(embedding, W1, b1, W2, b2)
    idx = diffusion_step.astype(jnp.int32).reshape(NW * N_CHUNKS, CHUNK)
    return _sc_gather(table, idx)

# --- scband reference (transcript-rebuilt; emitter-appended) ---
"""Pipeline reference for scband-diffusion-embedding-15358803051088 (READ-ONLY COPY).

The authoritative reference and input builder live on the scoring server;
editing this copy changes nothing except your own understanding.
"""

import jax, jax.numpy as jnp
import numpy as np

NUM_STEPS = 1000
EMB_DIM = 128
PROJ_DIM = 128
BATCH = 16384

def _build_embedding(num_steps, dim):
    steps = jnp.arange(num_steps, dtype=jnp.float32)[:, None]
    frequencies = (10.0 ** (jnp.arange(dim, dtype=jnp.float32) / (dim - 1) * 4.0))[None, :]
    table = steps * frequencies
    table = jnp.concatenate([jnp.sin(table), jnp.cos(table)], axis=1)
    return table

def setup_inputs(seed: int = 0) -> dict:
    key = jax.random.key(seed)
    k1, k2, k3, k4, k5 = jax.random.split(key, 5)
    diffusion_step = jax.random.randint(k1, (BATCH,), 0, NUM_STEPS)
    embedding = _build_embedding(NUM_STEPS, EMB_DIM // 2)
    # he_uniform-like init for dense layers
    limit1 = float(np.sqrt(6.0 / EMB_DIM))
    W1 = jax.random.uniform(k2, (EMB_DIM, PROJ_DIM), minval=-limit1, maxval=limit1, dtype=jnp.float32)
    b1 = jax.random.uniform(k3, (PROJ_DIM,), minval=-limit1, maxval=limit1, dtype=jnp.float32)
    limit2 = float(np.sqrt(6.0 / PROJ_DIM))
    W2 = jax.random.uniform(k4, (PROJ_DIM, PROJ_DIM), minval=-limit2, maxval=limit2, dtype=jnp.float32)
    b2 = jax.random.uniform(k5, (PROJ_DIM,), minval=-limit2, maxval=limit2, dtype=jnp.float32)
    return {"diffusion_step": diffusion_step, "embedding": embedding, "W1": W1, "b1": b1, "W2": W2, "b2": b2}

def _swish(x):
    return x * jax.nn.sigmoid(x)

def reference(diffusion_step, embedding, W1, b1, W2, b2):
    x = jnp.take(embedding, diffusion_step, axis=0)
    x = x @ W1 + b1
    x = _swish(x)
    x = x @ W2 + b2
    x = _swish(x)
    return x

if __name__ == "__main__":
    import jax
    _d = setup_inputs()
    print(jax.jit(kernel)(*tuple(_d.values())))

</pallas_src>

<mosaic_0001>
#map = affine_map<(d0, d1) -> (0, 0)>
module attributes {stable_mosaic.version = 14 : i64} {
  func.func @_sc_gather(%arg0: i32, %arg1: i32, %arg2: memref<1000x128xf32, #tpu.memory_space<hbm>>, %arg3: memref<128x128xi32, #tpu.memory_space<hbm>>, %arg4: memref<16384x128xf32, #tpu.memory_space<hbm>>, %arg5: memref<4x128xi32, #tpu.memory_space<vmem>>, %arg6: memref<512x128xf32, #tpu.memory_space<vmem>>, %arg7: memref<1000x128xf32, #tpu.memory_space<vmem_shared>>, %arg8: memref<4x!tpu.dma_semaphore, #tpu.memory_space<semaphore_mem>>, %arg9: memref<4x!tpu.dma_semaphore, #tpu.memory_space<semaphore_mem>>, %arg10: memref<!tpu.dma_semaphore, #tpu.memory_space<semaphore_mem>>) attributes {dimension_semantics = [#tpu.dimension_semantics<core_parallel>, #tpu.dimension_semantics<subcore_parallel>], iteration_bounds = array<i64: 2, 16>, scalar_prefetch = 0 : i64, scratch_operands = 6 : i64, tpu.core_type = #tpu.core_type<sc_vector_subcore>, window_params = [{transform_indices = #map}, {transform_indices = #map}, {transform_indices = #map}]} {
    %mul3A = arith.constant 2 : i32
    %mul3A_0 = arith.muli %arg1, %mul3A : i32
    %add3A = arith.addi %mul3A_0, %arg0 : i32
    %mul3A_1 = arith.constant 512 : i32
    %mul3A_2 = arith.muli %add3A, %mul3A_1 : i32
    %eq3A = arith.constant 0 : i32
    %eq3A_3 = arith.cmpi eq, %arg1, %eq3A : i32
    %convert_element_type3A = arith.extui %eq3A_3 : i1 to i32
    %cond3A = arith.constant 0 : i32
    %cond3A_4 = arith.cmpi ne, %convert_element_type3A, %cond3A : i32
    scf.if %cond3A_4 {
      tpu.enqueue_dma source(%arg2 : memref<1000x128xf32, #tpu.memory_space<hbm>>) target(%arg7 : memref<1000x128xf32, #tpu.memory_space<vmem_shared>>) target_semaphore(%arg10 : memref<!tpu.dma_semaphore, #tpu.memory_space<semaphore_mem>>)
    } else {
    }
    %mul3A_5 = arith.constant 4 : i32
    %mul3A_6 = arith.muli %add3A, %mul3A_5 : i32
    "tpu.region"() ({
      %run_scoped3A = tpu.sem_alloc : memref<!tpu.dma_semaphore, #tpu.memory_space<semaphore_mem>>
      %dma_start3A_226 = arith.constant 0 : i32
      %dma_start3A_227 = tpu.memref_slice %arg3[%mul3A_6, %dma_start3A_226] : memref<128x128xi32, #tpu.memory_space<hbm>> -> memref<4x128xi32, #tpu.memory_space<hbm>>
      %dma_start3A_228 = arith.constant 0 : i32
      %dma_start3A_229 = tpu.memref_slice %arg3[%mul3A_6, %dma_start3A_228] : memref<128x128xi32, #tpu.memory_space<hbm>> -> memref<4x128xi32, #tpu.memory_space<hbm>>
      tpu.enqueue_dma source(%dma_start3A_229 : memref<4x128xi32, #tpu.memory_space<hbm>>) target(%arg5 : memref<4x128xi32, #tpu.memory_space<vmem>>) target_semaphore(%run_scoped3A : memref<!tpu.dma_semaphore, #tpu.memory_space<semaphore_mem>>)
      %dma_wait3A_230 = arith.constant 0 : i32
      %dma_wait3A_231 = tpu.memref_slice %arg3[%mul3A_6, %dma_wait3A_230] : memref<128x128xi32, #tpu.memory_space<hbm>> -> memref<4x128xi32, #tpu.memory_space<hbm>>
      %dma_wait3A_232 = arith.constant 0 : i32
      %dma_wait3A_233 = tpu.memref_slice %arg3[%mul3A_6, %dma_wait3A_232] : memref<128x128xi32, #tpu.memory_space<hbm>> -> memref<4x128xi32, #tpu.memory_space<hbm>>
      tpu.wait_dma2 semaphore(%run_scoped3A : memref<!tpu.dma_semaphore, #tpu.memory_space<semaphore_mem>>) src(%dma_wait3A_233 : memref<4x128xi32, #tpu.memory_space<hbm>>) dst(%arg5 : memref<4x128xi32, #tpu.memory_space<vmem>>)
      tpu.yield
    }) : () -> ()
    %eq3A_7 = arith.constant 0 : i32
    %eq3A_8 = arith.cmpi eq, %arg1, %eq3A_7 : i32
    %convert_element_type3A_9 = arith.extui %eq3A_8 : i1 to i32
    %cond3A_10 = arith.constant 0 : i32
    %cond3A_11 = arith.cmpi ne, %convert_element_type3A_9, %cond3A_10 : i32
    scf.if %cond3A_11 {
      tpu.wait_dma2 semaphore(%arg10 : memref<!tpu.dma_semaphore, #tpu.memory_space<semaphore_mem>>) src(%arg2 : memref<1000x128xf32, #tpu.memory_space<hbm>>) dst(%arg7 : memref<1000x128xf32, #tpu.memory_space<vmem_shared>>)
    } else {
    }
    %barrier3A = arith.constant 0 : index
    tpu.barrier barrier_id(%barrier3A)
    %dma_start3A = arith.constant 0 : i32
    %dma_start3A_12 = arith.constant 0 : i32
    %dma_start3A_13 = arith.constant 0 : i32
    %dma_start3A_14 = arith.constant 0 : i32
    %dma_start3A_15 = tpu.memref_slice %arg6[%dma_start3A_13, %dma_start3A_14] : memref<512x128xf32, #tpu.memory_space<vmem>> -> memref<128x128xf32, #tpu.memory_space<vmem>>
    %dma_start3A_16 = arith.constant 0 : i32
    %dma_start3A_17 = tpu.memref_slice %arg5[%dma_start3A, %dma_start3A_16] : memref<4x128xi32, #tpu.memory_space<vmem>> -> memref<1x128xi32, #tpu.memory_space<vmem>>
    %dma_start3A_18 = tpu.memref_squeeze %dma_start3A_17 : memref<1x128xi32, #tpu.memory_space<vmem>> -> memref<128xi32, #tpu.memory_space<vmem>>
    %dma_start3A_19 = arith.constant 0 : i32
    %dma_start3A_20 = arith.constant 0 : i32
    %dma_start3A_21 = tpu.memref_slice %arg7[%dma_start3A_19, %dma_start3A_20] : memref<1000x128xf32, #tpu.memory_space<vmem_shared>> -> memref<1000x128xf32, #tpu.memory_space<vmem_shared>>
    %dma_start3A_22 = tpu.memref_slice %arg8[%dma_start3A_12] : memref<4x!tpu.dma_semaphore, #tpu.memory_space<semaphore_mem>> -> memref<1x!tpu.dma_semaphore, #tpu.memory_space<semaphore_mem>>
    %dma_start3A_23 = tpu.memref_squeeze %dma_start3A_22 : memref<1x!tpu.dma_semaphore, #tpu.memory_space<semaphore_mem>> -> memref<!tpu.dma_semaphore, #tpu.memory_space<semaphore_mem>>
    tpu.enqueue_indirect_dma source(%dma_start3A_21 : memref<1000x128xf32, #tpu.memory_space<vmem_shared>>) target(%dma_start3A_15 : memref<128x128xf32, #tpu.memory_space<vmem>>) offsets(%dma_start3A_18 : memref<128xi32, #tpu.memory_space<vmem>>) semaphore(%dma_start3A_23 : memref<!tpu.dma_semaphore, #tpu.memory_space<semaphore_mem>>)
    %dma_start3A_24 = arith.constant 1 : i32
    %dma_start3A_25 = arith.constant 1 : i32
    %dma_start3A_26 = arith.constant 128 : i32
    %dma_start3A_27 = arith.constant 0 : i32
    %dma_start3A_28 = tpu.memref_slice %arg6[%dma_start3A_26, %dma_start3A_27] : memref<512x128xf32, #tpu.memory_space<vmem>> -> memref<128x128xf32, #tpu.memory_space<vmem>>
    %dma_start3A_29 = arith.constant 0 : i32
    %dma_start3A_30 = tpu.memref_slice %arg5[%dma_start3A_24, %dma_start3A_29] : memref<4x128xi32, #tpu.memory_space<vmem>> -> memref<1x128xi32, #tpu.memory_space<vmem>>
    %dma_start3A_31 = tpu.memref_squeeze %dma_start3A_30 : memref<1x128xi32, #tpu.memory_space<vmem>> -> memref<128xi32, #tpu.memory_space<vmem>>
    %dma_start3A_32 = arith.constant 0 : i32
    %dma_start3A_33 = arith.constant 0 : i32
    %dma_start3A_34 = tpu.memref_slice %arg7[%dma_start3A_32, %dma_start3A_33] : memref<1000x128xf32, #tpu.memory_space<vmem_shared>> -> memref<1000x128xf32, #tpu.memory_space<vmem_shared>>
    %dma_start3A_35 = tpu.memref_slice %arg8[%dma_start3A_25] : memref<4x!tpu.dma_semaphore, #tpu.memory_space<semaphore_mem>> -> memref<1x!tpu.dma_semaphore, #tpu.memory_space<semaphore_mem>>
    %dma_start3A_36 = tpu.memref_squeeze %dma_start3A_35 : memref<1x!tpu.dma_semaphore, #tpu.memory_space<semaphore_mem>> -> memref<!tpu.dma_semaphore, #tpu.memory_space<semaphore_mem>>
    tpu.enqueue_indirect_dma source(%dma_start3A_34 : memref<1000x128xf32, #tpu.memory_space<vmem_shared>>) target(%dma_start3A_28 : memref<128x128xf32, #tpu.memory_space<vmem>>) offsets(%dma_start3A_31 : memref<128xi32, #tpu.memory_space<vmem>>) semaphore(%dma_start3A_36 : memref<!tpu.dma_semaphore, #tpu.memory_space<semaphore_mem>>)
    %dma_start3A_37 = arith.constant 2 : i32
    %dma_start3A_38 = arith.constant 2 : i32
    %dma_start3A_39 = arith.constant 256 : i32
    %dma_start3A_40 = arith.constant 0 : i32
    %dma_start3A_41 = tpu.memref_slice %arg6[%dma_start3A_39, %dma_start3A_40] : memref<512x128xf32, #tpu.memory_space<vmem>> -> memref<128x128xf32, #tpu.memory_space<vmem>>
    %dma_start3A_42 = arith.constant 0 : i32
    %dma_start3A_43 = tpu.memref_slice %arg5[%dma_start3A_37, %dma_start3A_42] : memref<4x128xi32, #tpu.memory_space<vmem>> -> memref<1x128xi32, #tpu.memory_space<vmem>>
    %dma_start3A_44 = tpu.memref_squeeze %dma_start3A_43 : memref<1x128xi32, #tpu.memory_space<vmem>> -> memref<128xi32, #tpu.memory_space<vmem>>
    %dma_start3A_45 = arith.constant 0 : i32
    %dma_start3A_46 = arith.constant 0 : i32
    %dma_start3A_47 = tpu.memref_slice %arg7[%dma_start3A_45, %dma_start3A_46] : memref<1000x128xf32, #tpu.memory_space<vmem_shared>> -> memref<1000x128xf32, #tpu.memory_space<vmem_shared>>
    %dma_start3A_48 = tpu.memref_slice %arg8[%dma_start3A_38] : memref<4x!tpu.dma_semaphore, #tpu.memory_space<semaphore_mem>> -> memref<1x!tpu.dma_semaphore, #tpu.memory_space<semaphore_mem>>
    %dma_start3A_49 = tpu.memref_squeeze %dma_start3A_48 : memref<1x!tpu.dma_semaphore, #tpu.memory_space<semaphore_mem>> -> memref<!tpu.dma_semaphore, #tpu.memory_space<semaphore_mem>>
    tpu.enqueue_indirect_dma source(%dma_start3A_47 : memref<1000x128xf32, #tpu.memory_space<vmem_shared>>) target(%dma_start3A_41 : memref<128x128xf32, #tpu.memory_space<vmem>>) offsets(%dma_start3A_44 : memref<128xi32, #tpu.memory_space<vmem>>) semaphore(%dma_start3A_49 : memref<!tpu.dma_semaphore, #tpu.memory_space<semaphore_mem>>)
    %dma_start3A_50 = arith.constant 3 : i32
    %dma_start3A_51 = arith.constant 3 : i32
    %dma_start3A_52 = arith.constant 384 : i32
    %dma_start3A_53 = arith.constant 0 : i32
    %dma_start3A_54 = tpu.memref_slice %arg6[%dma_start3A_52, %dma_start3A_53] : memref<512x128xf32, #tpu.memory_space<vmem>> -> memref<128x128xf32, #tpu.memory_space<vmem>>
    %dma_start3A_55 = arith.constant 0 : i32
    %dma_start3A_56 = tpu.memref_slice %arg5[%dma_start3A_50, %dma_start3A_55] : memref<4x128xi32, #tpu.memory_space<vmem>> -> memref<1x128xi32, #tpu.memory_space<vmem>>
    %dma_start3A_57 = tpu.memref_squeeze %dma_start3A_56 : memref<1x128xi32, #tpu.memory_space<vmem>> -> memref<128xi32, #tpu.memory_space<vmem>>
    %dma_start3A_58 = arith.constant 0 : i32
    %dma_start3A_59 = arith.constant 0 : i32
    %dma_start3A_60 = tpu.memref_slice %arg7[%dma_start3A_58, %dma_start3A_59] : memref<1000x128xf32, #tpu.memory_space<vmem_shared>> -> memref<1000x128xf32, #tpu.memory_space<vmem_shared>>
    %dma_start3A_61 = tpu.memref_slice %arg8[%dma_start3A_51] : memref<4x!tpu.dma_semaphore, #tpu.memory_space<semaphore_mem>> -> memref<1x!tpu.dma_semaphore, #tpu.memory_space<semaphore_mem>>
    %dma_start3A_62 = tpu.memref_squeeze %dma_start3A_61 : memref<1x!tpu.dma_semaphore, #tpu.memory_space<semaphore_mem>> -> memref<!tpu.dma_semaphore, #tpu.memory_space<semaphore_mem>>
    tpu.enqueue_indirect_dma source(%dma_start3A_60 : memref<1000x128xf32, #tpu.memory_space<vmem_shared>>) target(%dma_start3A_54 : memref<128x128xf32, #tpu.memory_space<vmem>>) offsets(%dma_start3A_57 : memref<128xi32, #tpu.memory_space<vmem>>) semaphore(%dma_start3A_62 : memref<!tpu.dma_semaphore, #tpu.memory_space<semaphore_mem>>)
    %dma_wait3A = arith.constant 0 : i32
    %dma_wait3A_63 = arith.constant 0 : i32
    %dma_wait3A_64 = arith.constant 0 : i32
    %dma_wait3A_65 = arith.constant 0 : i32
    %dma_wait3A_66 = tpu.memref_slice %arg6[%dma_wait3A_64, %dma_wait3A_65] : memref<512x128xf32, #tpu.memory_space<vmem>> -> memref<128x128xf32, #tpu.memory_space<vmem>>
    %dma_wait3A_67 = arith.constant 0 : i32
    %dma_wait3A_68 = tpu.memref_slice %arg5[%dma_wait3A, %dma_wait3A_67] : memref<4x128xi32, #tpu.memory_space<vmem>> -> memref<1x128xi32, #tpu.memory_space<vmem>>
    %dma_wait3A_69 = tpu.memref_squeeze %dma_wait3A_68 : memref<1x128xi32, #tpu.memory_space<vmem>> -> memref<128xi32, #tpu.memory_space<vmem>>
    %dma_wait3A_70 = arith.constant 0 : i32
    %dma_wait3A_71 = arith.constant 0 : i32
    %dma_wait3A_72 = tpu.memref_slice %arg7[%dma_wait3A_70, %dma_wait3A_71] : memref<1000x128xf32, #tpu.memory_space<vmem_shared>> -> memref<1000x128xf32, #tpu.memory_space<vmem_shared>>
    %dma_wait3A_73 = tpu.memref_slice %arg8[%dma_wait3A_63] : memref<4x!tpu.dma_semaphore, #tpu.memory_space<semaphore_mem>> -> memref<1x!tpu.dma_semaphore, #tpu.memory_space<semaphore_mem>>
    %dma_wait3A_74 = tpu.memref_squeeze %dma_wait3A_73 : memref<1x!tpu.dma_semaphore, #tpu.memory_space<semaphore_mem>> -> memref<!tpu.dma_semaphore, #tpu.memory_space<semaphore_mem>>
    tpu.wait_indirect_dma semaphore(%dma_wait3A_74 : memref<!tpu.dma_semaphore, #tpu.memory_space<semaphore_mem>>) src(%dma_wait3A_72 : memref<1000x128xf32, #tpu.memory_space<vmem_shared>>) dst(%dma_wait3A_66 : memref<128x128xf32, #tpu.memory_space<vmem>>)
    %add3A_75 = arith.constant 0 : i32
    %add3A_76 = arith.addi %mul3A_2, %add3A_75 : i32
    %dma_start3A_77 = arith.constant 0 : i32
    %dma_start3A_78 = arith.constant 0 : i32
    %dma_start3A_79 = arith.constant 0 : i32
    %dma_start3A_80 = tpu.memref_slice %arg6[%dma_start3A_78, %dma_start3A_79] : memref<512x128xf32, #tpu.memory_space<vmem>> -> memref<128x128xf32, #tpu.memory_space<vmem>>
    %dma_start3A_81 = arith.constant 0 : i32
    %dma_start3A_82 = tpu.memref_slice %arg4[%add3A_76, %dma_start3A_81] : memref<16384x128xf32, #tpu.memory_space<hbm>> -> memref<128x128xf32, #tpu.memory_space<hbm>>
    %dma_start3A_83 = tpu.memref_slice %arg9[%dma_start3A_77] : memref<4x!tpu.dma_semaphore, #tpu.memory_space<semaphore_mem>> -> memref<1x!tpu.dma_semaphore, #tpu.memory_space<semaphore_mem>>
    %dma_start3A_84 = tpu.memref_squeeze %dma_start3A_83 : memref<1x!tpu.dma_semaphore, #tpu.memory_space<semaphore_mem>> -> memref<!tpu.dma_semaphore, #tpu.memory_space<semaphore_mem>>
    %dma_start3A_85 = arith.constant 0 : i32
    %dma_start3A_86 = tpu.memref_slice %arg4[%add3A_76, %dma_start3A_85] : memref<16384x128xf32, #tpu.memory_space<hbm>> -> memref<128x128xf32, #tpu.memory_space<hbm>>
    %dma_start3A_87 = arith.constant 0 : i32
    %dma_start3A_88 = arith.constant 0 : i32
    %dma_start3A_89 = tpu.memref_slice %arg6[%dma_start3A_87, %dma_start3A_88] : memref<512x128xf32, #tpu.memory_space<vmem>> -> memref<128x128xf32, #tpu.memory_space<vmem>>
    tpu.enqueue_dma source(%dma_start3A_89 : memref<128x128xf32, #tpu.memory_space<vmem>>) target(%dma_start3A_86 : memref<128x128xf32, #tpu.memory_space<hbm>>) target_semaphore(%dma_start3A_84 : memref<!tpu.dma_semaphore, #tpu.memory_space<semaphore_mem>>)
    %dma_wait3A_90 = arith.constant 1 : i32
    %dma_wait3A_91 = arith.constant 1 : i32
    %dma_wait3A_92 = arith.constant 128 : i32
    %dma_wait3A_93 = arith.constant 0 : i32
    %dma_wait3A_94 = tpu.memref_slice %arg6[%dma_wait3A_92, %dma_wait3A_93] : memref<512x128xf32, #tpu.memory_space<vmem>> -> memref<128x128xf32, #tpu.memory_space<vmem>>
    %dma_wait3A_95 = arith.constant 0 : i32
    %dma_wait3A_96 = tpu.memref_slice %arg5[%dma_wait3A_90, %dma_wait3A_95] : memref<4x128xi32, #tpu.memory_space<vmem>> -> memref<1x128xi32, #tpu.memory_space<vmem>>
    %dma_wait3A_97 = tpu.memref_squeeze %dma_wait3A_96 : memref<1x128xi32, #tpu.memory_space<vmem>> -> memref<128xi32, #tpu.memory_space<vmem>>
    %dma_wait3A_98 = arith.constant 0 : i32
    %dma_wait3A_99 = arith.constant 0 : i32
    %dma_wait3A_100 = tpu.memref_slice %arg7[%dma_wait3A_98, %dma_wait3A_99] : memref<1000x128xf32, #tpu.memory_space<vmem_shared>> -> memref<1000x128xf32, #tpu.memory_space<vmem_shared>>
    %dma_wait3A_101 = tpu.memref_slice %arg8[%dma_wait3A_91] : memref<4x!tpu.dma_semaphore, #tpu.memory_space<semaphore_mem>> -> memref<1x!tpu.dma_semaphore, #tpu.memory_space<semaphore_mem>>
    %dma_wait3A_102 = tpu.memref_squeeze %dma_wait3A_101 : memref<1x!tpu.dma_semaphore, #tpu.memory_space<semaphore_mem>> -> memref<!tpu.dma_semaphore, #tpu.memory_space<semaphore_mem>>
    tpu.wait_indirect_dma semaphore(%dma_wait3A_102 : memref<!tpu.dma_semaphore, #tpu.memory_space<semaphore_mem>>) src(%dma_wait3A_100 : memref<1000x128xf32, #tpu.memory_space<vmem_shared>>) dst(%dma_wait3A_94 : memref<128x128xf32, #tpu.memory_space<vmem>>)
    %add3A_103 = arith.constant 128 : i32
    %add3A_104 = arith.addi %mul3A_2, %add3A_103 : i32
    %dma_start3A_105 = arith.constant 1 : i32
    %dma_start3A_106 = arith.constant 128 : i32
    %dma_start3A_107 = arith.constant 0 : i32
    %dma_start3A_108 = tpu.memref_slice %arg6[%dma_start3A_106, %dma_start3A_107] : memref<512x128xf32, #tpu.memory_space<vmem>> -> memref<128x128xf32, #tpu.memory_space<vmem>>
    %dma_start3A_109 = arith.constant 0 : i32
    %dma_start3A_110 = tpu.memref_slice %arg4[%add3A_104, %dma_start3A_109] : memref<16384x128xf32, #tpu.memory_space<hbm>> -> memref<128x128xf32, #tpu.memory_space<hbm>>
    %dma_start3A_111 = tpu.memref_slice %arg9[%dma_start3A_105] : memref<4x!tpu.dma_semaphore, #tpu.memory_space<semaphore_mem>> -> memref<1x!tpu.dma_semaphore, #tpu.memory_space<semaphore_mem>>
    %dma_start3A_112 = tpu.memref_squeeze %dma_start3A_111 : memref<1x!tpu.dma_semaphore, #tpu.memory_space<semaphore_mem>> -> memref<!tpu.dma_semaphore, #tpu.memory_space<semaphore_mem>>
    %dma_start3A_113 = arith.constant 0 : i32
    %dma_start3A_114 = tpu.memref_slice %arg4[%add3A_104, %dma_start3A_113] : memref<16384x128xf32, #tpu.memory_space<hbm>> -> memref<128x128xf32, #tpu.memory_space<hbm>>
    %dma_start3A_115 = arith.constant 128 : i32
    %dma_start3A_116 = arith.constant 0 : i32
    %dma_start3A_117 = tpu.memref_slice %arg6[%dma_start3A_115, %dma_start3A_116] : memref<512x128xf32, #tpu.memory_space<vmem>> -> memref<128x128xf32, #tpu.memory_space<vmem>>
    tpu.enqueue_dma source(%dma_start3A_117 : memref<128x128xf32, #tpu.memory_space<vmem>>) target(%dma_start3A_114 : memref<128x128xf32, #tpu.memory_space<hbm>>) target_semaphore(%dma_start3A_112 : memref<!tpu.dma_semaphore, #tpu.memory_space<semaphore_mem>>)
    %dma_wait3A_118 = arith.constant 2 : i32
    %dma_wait3A_119 = arith.constant 2 : i32
    %dma_wait3A_120 = arith.constant 256 : i32
    %dma_wait3A_121 = arith.constant 0 : i32
    %dma_wait3A_122 = tpu.memref_slice %arg6[%dma_wait3A_120, %dma_wait3A_121] : memref<512x128xf32, #tpu.memory_space<vmem>> -> memref<128x128xf32, #tpu.memory_space<vmem>>
    %dma_wait3A_123 = arith.constant 0 : i32
    %dma_wait3A_124 = tpu.memref_slice %arg5[%dma_wait3A_118, %dma_wait3A_123] : memref<4x128xi32, #tpu.memory_space<vmem>> -> memref<1x128xi32, #tpu.memory_space<vmem>>
    %dma_wait3A_125 = tpu.memref_squeeze %dma_wait3A_124 : memref<1x128xi32, #tpu.memory_space<vmem>> -> memref<128xi32, #tpu.memory_space<vmem>>
    %dma_wait3A_126 = arith.constant 0 : i32
    %dma_wait3A_127 = arith.constant 0 : i32
    %dma_wait3A_128 = tpu.memref_slice %arg7[%dma_wait3A_126, %dma_wait3A_127] : memref<1000x128xf32, #tpu.memory_space<vmem_shared>> -> memref<1000x128xf32, #tpu.memory_space<vmem_shared>>
    %dma_wait3A_129 = tpu.memref_slice %arg8[%dma_wait3A_119] : memref<4x!tpu.dma_semaphore, #tpu.memory_space<semaphore_mem>> -> memref<1x!tpu.dma_semaphore, #tpu.memory_space<semaphore_mem>>
    %dma_wait3A_130 = tpu.memref_squeeze %dma_wait3A_129 : memref<1x!tpu.dma_semaphore, #tpu.memory_space<semaphore_mem>> -> memref<!tpu.dma_semaphore, #tpu.memory_space<semaphore_mem>>
    tpu.wait_indirect_dma semaphore(%dma_wait3A_130 : memref<!tpu.dma_semaphore, #tpu.memory_space<semaphore_mem>>) src(%dma_wait3A_128 : memref<1000x128xf32, #tpu.memory_space<vmem_shared>>) dst(%dma_wait3A_122 : memref<128x128xf32, #tpu.memory_space<vmem>>)
    %add3A_131 = arith.constant 256 : i32
    %add3A_132 = arith.addi %mul3A_2, %add3A_131 : i32
    %dma_start3A_133 = arith.constant 2 : i32
    %dma_start3A_134 = arith.constant 256 : i32
    %dma_start3A_135 = arith.constant 0 : i32
    %dma_start3A_136 = tpu.memref_slice %arg6[%dma_start3A_134, %dma_start3A_135] : memref<512x128xf32, #tpu.memory_space<vmem>> -> memref<128x128xf32, #tpu.memory_space<vmem>>
    %dma_start3A_137 = arith.constant 0 : i32
    %dma_start3A_138 = tpu.memref_slice %arg4[%add3A_132, %dma_start3A_137] : memref<16384x128xf32, #tpu.memory_space<hbm>> -> memref<128x128xf32, #tpu.memory_space<hbm>>
    %dma_start3A_139 = tpu.memref_slice %arg9[%dma_start3A_133] : memref<4x!tpu.dma_semaphore, #tpu.memory_space<semaphore_mem>> -> memref<1x!tpu.dma_semaphore, #tpu.memory_space<semaphore_mem>>
    %dma_start3A_140 = tpu.memref_squeeze %dma_start3A_139 : memref<1x!tpu.dma_semaphore, #tpu.memory_space<semaphore_mem>> -> memref<!tpu.dma_semaphore, #tpu.memory_space<semaphore_mem>>
    %dma_start3A_141 = arith.constant 0 : i32
    %dma_start3A_142 = tpu.memref_slice %arg4[%add3A_132, %dma_start3A_141] : memref<16384x128xf32, #tpu.memory_space<hbm>> -> memref<128x128xf32, #tpu.memory_space<hbm>>
    %dma_start3A_143 = arith.constant 256 : i32
    %dma_start3A_144 = arith.constant 0 : i32
    %dma_start3A_145 = tpu.memref_slice %arg6[%dma_start3A_143, %dma_start3A_144] : memref<512x128xf32, #tpu.memory_space<vmem>> -> memref<128x128xf32, #tpu.memory_space<vmem>>
    tpu.enqueue_dma source(%dma_start3A_145 : memref<128x128xf32, #tpu.memory_space<vmem>>) target(%dma_start3A_142 : memref<128x128xf32, #tpu.memory_space<hbm>>) target_semaphore(%dma_start3A_140 : memref<!tpu.dma_semaphore, #tpu.memory_space<semaphore_mem>>)
    %dma_wait3A_146 = arith.constant 3 : i32
    %dma_wait3A_147 = arith.constant 3 : i32
    %dma_wait3A_148 = arith.constant 384 : i32
    %dma_wait3A_149 = arith.constant 0 : i32
    %dma_wait3A_150 = tpu.memref_slice %arg6[%dma_wait3A_148, %dma_wait3A_149] : memref<512x128xf32, #tpu.memory_space<vmem>> -> memref<128x128xf32, #tpu.memory_space<vmem>>
    %dma_wait3A_151 = arith.constant 0 : i32
    %dma_wait3A_152 = tpu.memref_slice %arg5[%dma_wait3A_146, %dma_wait3A_151] : memref<4x128xi32, #tpu.memory_space<vmem>> -> memref<1x128xi32, #tpu.memory_space<vmem>>
    %dma_wait3A_153 = tpu.memref_squeeze %dma_wait3A_152 : memref<1x128xi32, #tpu.memory_space<vmem>> -> memref<128xi32, #tpu.memory_space<vmem>>
    %dma_wait3A_154 = arith.constant 0 : i32
    %dma_wait3A_155 = arith.constant 0 : i32
    %dma_wait3A_156 = tpu.memref_slice %arg7[%dma_wait3A_154, %dma_wait3A_155] : memref<1000x128xf32, #tpu.memory_space<vmem_shared>> -> memref<1000x128xf32, #tpu.memory_space<vmem_shared>>
    %dma_wait3A_157 = tpu.memref_slice %arg8[%dma_wait3A_147] : memref<4x!tpu.dma_semaphore, #tpu.memory_space<semaphore_mem>> -> memref<1x!tpu.dma_semaphore, #tpu.memory_space<semaphore_mem>>
    %dma_wait3A_158 = tpu.memref_squeeze %dma_wait3A_157 : memref<1x!tpu.dma_semaphore, #tpu.memory_space<semaphore_mem>> -> memref<!tpu.dma_semaphore, #tpu.memory_space<semaphore_mem>>
    tpu.wait_indirect_dma semaphore(%dma_wait3A_158 : memref<!tpu.dma_semaphore, #tpu.memory_space<semaphore_mem>>) src(%dma_wait3A_156 : memref<1000x128xf32, #tpu.memory_space<vmem_shared>>) dst(%dma_wait3A_150 : memref<128x128xf32, #tpu.memory_space<vmem>>)
    %add3A_159 = arith.constant 384 : i32
    %add3A_160 = arith.addi %mul3A_2, %add3A_159 : i32
    %dma_start3A_161 = arith.constant 3 : i32
    %dma_start3A_162 = arith.constant 384 : i32
    %dma_start3A_163 = arith.constant 0 : i32
    %dma_start3A_164 = tpu.memref_slice %arg6[%dma_start3A_162, %dma_start3A_163] : memref<512x128xf32, #tpu.memory_space<vmem>> -> memref<128x128xf32, #tpu.memory_space<vmem>>
    %dma_start3A_165 = arith.constant 0 : i32
    %dma_start3A_166 = tpu.memref_slice %arg4[%add3A_160, %dma_start3A_165] : memref<16384x128xf32, #tpu.memory_space<hbm>> -> memref<128x128xf32, #tpu.memory_space<hbm>>
    %dma_start3A_167 = tpu.memref_slice %arg9[%dma_start3A_161] : memref<4x!tpu.dma_semaphore, #tpu.memory_space<semaphore_mem>> -> memref<1x!tpu.dma_semaphore, #tpu.memory_space<semaphore_mem>>
    %dma_start3A_168 = tpu.memref_squeeze %dma_start3A_167 : memref<1x!tpu.dma_semaphore, #tpu.memory_space<semaphore_mem>> -> memref<!tpu.dma_semaphore, #tpu.memory_space<semaphore_mem>>
    %dma_start3A_169 = arith.constant 0 : i32
    %dma_start3A_170 = tpu.memref_slice %arg4[%add3A_160, %dma_start3A_169] : memref<16384x128xf32, #tpu.memory_space<hbm>> -> memref<128x128xf32, #tpu.memory_space<hbm>>
    %dma_start3A_171 = arith.constant 384 : i32
    %dma_start3A_172 = arith.constant 0 : i32
    %dma_start3A_173 = tpu.memref_slice %arg6[%dma_start3A_171, %dma_start3A_172] : memref<512x128xf32, #tpu.memory_space<vmem>> -> memref<128x128xf32, #tpu.memory_space<vmem>>
    tpu.enqueue_dma source(%dma_start3A_173 : memref<128x128xf32, #tpu.memory_space<vmem>>) target(%dma_start3A_170 : memref<128x128xf32, #tpu.memory_space<hbm>>) target_semaphore(%dma_start3A_168 : memref<!tpu.dma_semaphore, #tpu.memory_space<semaphore_mem>>)
    %dma_wait3A_174 = arith.constant 0 : i32
    %dma_wait3A_175 = arith.constant 0 : i32
    %dma_wait3A_176 = arith.constant 0 : i32
    %dma_wait3A_177 = tpu.memref_slice %arg6[%dma_wait3A_175, %dma_wait3A_176] : memref<512x128xf32, #tpu.memory_space<vmem>> -> memref<128x128xf32, #tpu.memory_space<vmem>>
    %dma_wait3A_178 = arith.constant 0 : i32
    %dma_wait3A_179 = tpu.memref_slice %arg4[%add3A_76, %dma_wait3A_178] : memref<16384x128xf32, #tpu.memory_space<hbm>> -> memref<128x128xf32, #tpu.memory_space<hbm>>
    %dma_wait3A_180 = tpu.memref_slice %arg9[%dma_wait3A_174] : memref<4x!tpu.dma_semaphore, #tpu.memory_space<semaphore_mem>> -> memref<1x!tpu.dma_semaphore, #tpu.memory_space<semaphore_mem>>
    %dma_wait3A_181 = tpu.memref_squeeze %dma_wait3A_180 : memref<1x!tpu.dma_semaphore, #tpu.memory_space<semaphore_mem>> -> memref<!tpu.dma_semaphore, #tpu.memory_space<semaphore_mem>>
    %dma_wait3A_182 = arith.constant 0 : i32
    %dma_wait3A_183 = tpu.memref_slice %arg4[%add3A_76, %dma_wait3A_182] : memref<16384x128xf32, #tpu.memory_space<hbm>> -> memref<128x128xf32, #tpu.memory_space<hbm>>
    %dma_wait3A_184 = arith.constant 0 : i32
    %dma_wait3A_185 = arith.constant 0 : i32
    %dma_wait3A_186 = tpu.memref_slice %arg6[%dma_wait3A_184, %dma_wait3A_185] : memref<512x128xf32, #tpu.memory_space<vmem>> -> memref<128x128xf32, #tpu.memory_space<vmem>>
    tpu.wait_dma2 semaphore(%dma_wait3A_181 : memref<!tpu.dma_semaphore, #tpu.memory_space<semaphore_mem>>) src(%dma_wait3A_186 : memref<128x128xf32, #tpu.memory_space<vmem>>) dst(%dma_wait3A_183 : memref<128x128xf32, #tpu.memory_space<hbm>>)
    %dma_wait3A_187 = arith.constant 1 : i32
    %dma_wait3A_188 = arith.constant 128 : i32
    %dma_wait3A_189 = arith.constant 0 : i32
    %dma_wait3A_190 = tpu.memref_slice %arg6[%dma_wait3A_188, %dma_wait3A_189] : memref<512x128xf32, #tpu.memory_space<vmem>> -> memref<128x128xf32, #tpu.memory_space<vmem>>
    %dma_wait3A_191 = arith.constant 0 : i32
    %dma_wait3A_192 = tpu.memref_slice %arg4[%add3A_104, %dma_wait3A_191] : memref<16384x128xf32, #tpu.memory_space<hbm>> -> memref<128x128xf32, #tpu.memory_space<hbm>>
    %dma_wait3A_193 = tpu.memref_slice %arg9[%dma_wait3A_187] : memref<4x!tpu.dma_semaphore, #tpu.memory_space<semaphore_mem>> -> memref<1x!tpu.dma_semaphore, #tpu.memory_space<semaphore_mem>>
    %dma_wait3A_194 = tpu.memref_squeeze %dma_wait3A_193 : memref<1x!tpu.dma_semaphore, #tpu.memory_space<semaphore_mem>> -> memref<!tpu.dma_semaphore, #tpu.memory_space<semaphore_mem>>
    %dma_wait3A_195 = arith.constant 0 : i32
    %dma_wait3A_196 = tpu.memref_slice %arg4[%add3A_104, %dma_wait3A_195] : memref<16384x128xf32, #tpu.memory_space<hbm>> -> memref<128x128xf32, #tpu.memory_space<hbm>>
    %dma_wait3A_197 = arith.constant 128 : i32
    %dma_wait3A_198 = arith.constant 0 : i32
    %dma_wait3A_199 = tpu.memref_slice %arg6[%dma_wait3A_197, %dma_wait3A_198] : memref<512x128xf32, #tpu.memory_space<vmem>> -> memref<128x128xf32, #tpu.memory_space<vmem>>
    tpu.wait_dma2 semaphore(%dma_wait3A_194 : memref<!tpu.dma_semaphore, #tpu.memory_space<semaphore_mem>>) src(%dma_wait3A_199 : memref<128x128xf32, #tpu.memory_space<vmem>>) dst(%dma_wait3A_196 : memref<128x128xf32, #tpu.memory_space<hbm>>)
    %dma_wait3A_200 = arith.constant 2 : i32
    %dma_wait3A_201 = arith.constant 256 : i32
    %dma_wait3A_202 = arith.constant 0 : i32
    %dma_wait3A_203 = tpu.memref_slice %arg6[%dma_wait3A_201, %dma_wait3A_202] : memref<512x128xf32, #tpu.memory_space<vmem>> -> memref<128x128xf32, #tpu.memory_space<vmem>>
    %dma_wait3A_204 = arith.constant 0 : i32
    %dma_wait3A_205 = tpu.memref_slice %arg4[%add3A_132, %dma_wait3A_204] : memref<16384x128xf32, #tpu.memory_space<hbm>> -> memref<128x128xf32, #tpu.memory_space<hbm>>
    %dma_wait3A_206 = tpu.memref_slice %arg9[%dma_wait3A_200] : memref<4x!tpu.dma_semaphore, #tpu.memory_space<semaphore_mem>> -> memref<1x!tpu.dma_semaphore, #tpu.memory_space<semaphore_mem>>
    %dma_wait3A_207 = tpu.memref_squeeze %dma_wait3A_206 : memref<1x!tpu.dma_semaphore, #tpu.memory_space<semaphore_mem>> -> memref<!tpu.dma_semaphore, #tpu.memory_space<semaphore_mem>>
    %dma_wait3A_208 = arith.constant 0 : i32
    %dma_wait3A_209 = tpu.memref_slice %arg4[%add3A_132, %dma_wait3A_208] : memref<16384x128xf32, #tpu.memory_space<hbm>> -> memref<128x128xf32, #tpu.memory_space<hbm>>
    %dma_wait3A_210 = arith.constant 256 : i32
    %dma_wait3A_211 = arith.constant 0 : i32
    %dma_wait3A_212 = tpu.memref_slice %arg6[%dma_wait3A_210, %dma_wait3A_211] : memref<512x128xf32, #tpu.memory_space<vmem>> -> memref<128x128xf32, #tpu.memory_space<vmem>>
    tpu.wait_dma2 semaphore(%dma_wait3A_207 : memref<!tpu.dma_semaphore, #tpu.memory_space<semaphore_mem>>) src(%dma_wait3A_212 : memref<128x128xf32, #tpu.memory_space<vmem>>) dst(%dma_wait3A_209 : memref<128x128xf32, #tpu.memory_space<hbm>>)
    %dma_wait3A_213 = arith.constant 3 : i32
    %dma_wait3A_214 = arith.constant 384 : i32
    %dma_wait3A_215 = arith.constant 0 : i32
    %dma_wait3A_216 = tpu.memref_slice %arg6[%dma_wait3A_214, %dma_wait3A_215] : memref<512x128xf32, #tpu.memory_space<vmem>> -> memref<128x128xf32, #tpu.memory_space<vmem>>
    %dma_wait3A_217 = arith.constant 0 : i32
    %dma_wait3A_218 = tpu.memref_slice %arg4[%add3A_160, %dma_wait3A_217] : memref<16384x128xf32, #tpu.memory_space<hbm>> -> memref<128x128xf32, #tpu.memory_space<hbm>>
    %dma_wait3A_219 = tpu.memref_slice %arg9[%dma_wait3A_213] : memref<4x!tpu.dma_semaphore, #tpu.memory_space<semaphore_mem>> -> memref<1x!tpu.dma_semaphore, #tpu.memory_space<semaphore_mem>>
    %dma_wait3A_220 = tpu.memref_squeeze %dma_wait3A_219 : memref<1x!tpu.dma_semaphore, #tpu.memory_space<semaphore_mem>> -> memref<!tpu.dma_semaphore, #tpu.memory_space<semaphore_mem>>
    %dma_wait3A_221 = arith.constant 0 : i32
    %dma_wait3A_222 = tpu.memref_slice %arg4[%add3A_160, %dma_wait3A_221] : memref<16384x128xf32, #tpu.memory_space<hbm>> -> memref<128x128xf32, #tpu.memory_space<hbm>>
    %dma_wait3A_223 = arith.constant 384 : i32
    %dma_wait3A_224 = arith.constant 0 : i32
    %dma_wait3A_225 = tpu.memref_slice %arg6[%dma_wait3A_223, %dma_wait3A_224] : memref<512x128xf32, #tpu.memory_space<vmem>> -> memref<128x128xf32, #tpu.memory_space<vmem>>
    tpu.wait_dma2 semaphore(%dma_wait3A_220 : memref<!tpu.dma_semaphore, #tpu.memory_space<semaphore_mem>>) src(%dma_wait3A_225 : memref<128x128xf32, #tpu.memory_space<vmem>>) dst(%dma_wait3A_222 : memref<128x128xf32, #tpu.memory_space<hbm>>)
    return
  }
}

module attributes {stable_mosaic.version = 14 : i64} {
  func.func @_mlp_body(%arg0: memref<1000x128xf32, #tpu.memory_space<vmem>>, %arg1: memref<128x128xf32, #tpu.memory_space<vmem>>, %arg2: memref<1x128xf32, #tpu.memory_space<vmem>>, %arg3: memref<128x128xf32, #tpu.memory_space<vmem>>, %arg4: memref<1x128xf32, #tpu.memory_space<vmem>>, %arg5: memref<1000x128xf32, #tpu.memory_space<vmem>>) attributes {dimension_semantics = [], scalar_prefetch = 0 : i64, scratch_operands = 0 : i64, tpu.core_type = #tpu.core_type<tc>} {
    %get3A = arith.constant 0 : index
    %get3A_0 = arith.constant 0 : index
    %get3A_1 = vector.load %arg0[%get3A, %get3A_0] : memref<1000x128xf32, #tpu.memory_space<vmem>>, vector<1000x128xf32>
    %get3A_2 = arith.constant 0 : index
    %get3A_3 = arith.constant 0 : index
    %get3A_4 = vector.load %arg1[%get3A_2, %get3A_3] : memref<128x128xf32, #tpu.memory_space<vmem>>, vector<128x128xf32>
    %dot_general3A = arith.constant dense<0.000000e+00> : vector<1000x128xf32>
    %dot_general3A_5 = tpu.matmul %get3A_1, %get3A_4, %dot_general3A {dimension_numbers = #tpu.dot_dimension_numbers<[1], [0], [0], [1], [0, 0, 1, 1], [], []>, transpose_lhs_hint = false} : vector<1000x128xf32>, vector<128x128xf32>, vector<1000x128xf32> -> vector<1000x128xf32>
    %get3A_6 = arith.constant 0 : index
    %get3A_7 = arith.constant 0 : index
    %get3A_8 = vector.load %arg2[%get3A_6, %get3A_7] : memref<1x128xf32, #tpu.memory_space<vmem>>, vector<1x128xf32>
    %add3A = vector.broadcast %get3A_8 : vector<1x128xf32> to vector<1000x128xf32>
    %add3A_9 = arith.addf %dot_general3A_5, %add3A : vector<1000x128xf32>
    %neg3A = arith.constant 0.000000e+00 : f32
    %neg3A_10 = vector.broadcast %neg3A : f32 to vector<1000x128xf32>
    %neg3A_11 = arith.subf %neg3A_10, %add3A_9 : vector<1000x128xf32>
    %exp3A = math.exp %neg3A_11 : vector<1000x128xf32>
    %add3A_12 = arith.constant 1.000000e+00 : f32
    %add3A_13 = vector.broadcast %add3A_12 : f32 to vector<1000x128xf32>
    %add3A_14 = arith.addf %add3A_13, %exp3A : vector<1000x128xf32>
    %div3A = arith.constant 1.000000e+00 : f32
    %div3A_15 = vector.broadcast %div3A : f32 to vector<1000x128xf32>
    %div3A_16 = arith.divf %div3A_15, %add3A_14 : vector<1000x128xf32>
    %mul3A = arith.mulf %add3A_9, %div3A_16 : vector<1000x128xf32>
    %get3A_17 = arith.constant 0 : index
    %get3A_18 = arith.constant 0 : index
    %get3A_19 = vector.load %arg3[%get3A_17, %get3A_18] : memref<128x128xf32, #tpu.memory_space<vmem>>, vector<128x128xf32>
    %dot_general3A_20 = arith.constant dense<0.000000e+00> : vector<1000x128xf32>
    %dot_general3A_21 = tpu.matmul %mul3A, %get3A_19, %dot_general3A_20 {dimension_numbers = #tpu.dot_dimension_numbers<[1], [0], [0], [1], [0, 0, 1, 1], [], []>, transpose_lhs_hint = false} : vector<1000x128xf32>, vector<128x128xf32>, vector<1000x128xf32> -> vector<1000x128xf32>
    %get3A_22 = arith.constant 0 : index
    %get3A_23 = arith.constant 0 : index
    %get3A_24 = vector.load %arg4[%get3A_22, %get3A_23] : memref<1x128xf32, #tpu.memory_space<vmem>>, vector<1x128xf32>
    %add3A_25 = vector.broadcast %get3A_24 : vector<1x128xf32> to vector<1000x128xf32>
    %add3A_26 = arith.addf %dot_general3A_21, %add3A_25 : vector<1000x128xf32>
    %neg3A_27 = arith.constant 0.000000e+00 : f32
    %neg3A_28 = vector.broadcast %neg3A_27 : f32 to vector<1000x128xf32>
    %neg3A_29 = arith.subf %neg3A_28, %add3A_26 : vector<1000x128xf32>
    %exp3A_30 = math.exp %neg3A_29 : vector<1000x128xf32>
    %add3A_31 = arith.constant 1.000000e+00 : f32
    %add3A_32 = vector.broadcast %add3A_31 : f32 to vector<1000x128xf32>
    %add3A_33 = arith.addf %add3A_32, %exp3A_30 : vector<1000x128xf32>
    %div3A_34 = arith.constant 1.000000e+00 : f32
    %div3A_35 = vector.broadcast %div3A_34 : f32 to vector<1000x128xf32>
    %div3A_36 = arith.divf %div3A_35, %add3A_33 : vector<1000x128xf32>
    %mul3A_37 = arith.mulf %add3A_26, %div3A_36 : vector<1000x128xf32>
    %swap3A = arith.constant 0 : index
    %swap3A_38 = arith.constant 0 : index
    %swap3A_39 = vector.load %arg5[%swap3A, %swap3A_38] : memref<1000x128xf32, #tpu.memory_space<vmem>>, vector<1000x128xf32>
    tpu.vector_store %arg5[%swap3A, %swap3A_38], %mul3A_37 {strides = array<i32>} : memref<1000x128xf32, #tpu.memory_space<vmem>>, vector<1000x128xf32>,
    return
  }
}

</mosaic_0001>

<sc_bundles>
// kernel: kernel.4.cloned.1.call-start
scs
__scs_entry_jumppad:
0x0: {  	(pc) =	sbr.rel $0x88, $3  }
0x1: {  	(tag) =	ssettag $0x0;
	lr =	simm.s32 $0x1  }
0x2: {  	[smem:$0x3F9B] =	sst lr;
	_ =	strace $0xD0000000  }
0x3: {  	_ = 	snop  }
0x4: {  	_ = 	snop  }
0x5: {  	_ = 	snop  }
0x6: {  	_ = 	snop  }
0x7: {  	_ = 	snop  }
__scs_overlays_trampoline_lowered:
0x8: {  	[smem:$0x3FAA] =	sst s0  }
0x9: {  	[smem:$0x3FAB] =	sst s1  }
0xa: {  	[smem:$0x3FAC] =	sst s2  }
0xb: {  	[smem:$0x3FAD] =	sst s3  }
0xc: {  	[smem:$0x3FAE] =	sst s4  }
0xd: {  	[smem:$0x3FAF] =	sst s5  }
0xe: {  	[smem:$0x3FB0] =	sst s6  }
0xf: {  	[smem:$0x3FB1] =	sst s7  }
0x10: {  	[smem:$0x3FB2] =	sst s8  }
0x11: {  	[smem:$0x3FB3] =	sst s9;
	s0 =	simm.s32 @!p0 $0x0  }
0x12: {  	s1 =	sld [smem:$0x3F99];
	s0 =	simm.s32 @p0 $0x1  }
0x13: {  	[smem:$0x3FB4] =	sst s0;
	s0 =	simm.s32 @!p1 $0x0  }
0x14: {  	s2 =	sld [smem:$0x3F98];
	s0 =	simm.s32 @p1 $0x1  }
0x15: {  	[smem:$0x3FB5] =	sst s0;
	s0 =	simm.s32 @!p2 $0x0  }
0x16: {  	s3 =	sld [smem:$0x3FDB];
	s0 =	simm.s32 @p2 $0x1  }
0x17: {  	s4 =	simm.s32 $0x1BF5;
	[smem:$0x3FB7] =	sst s0  }
0x18: {  	s0 =	sld [smem:$0x3F9A];
	_ =	swait.ge [sflag:s4], $0x0  }
0x19: {  	s7 =	sld [smem:$0x3F9B]  }
0x1a: {  	s8 =	sadd.s32 $0xFFFFE003, lr  }
0x1b: {  	s9 =	sadd.s32 $0xFFFFFEF7, lr;
	s5 =	simm.s32 $0xFFFFFFFF;
	p2 =	slt.u32 s8, $0xFFFFF086  }
0x1c: {  	p1 =	slt.u32 s9, $0xF7A;
	s5 =	simm.s32 @!p2 $0x0  }
0x1d: {  	s5 =	simm.s32 @p1 $0x1;
	p0 =	seq.s32 s7, s2  }
0x1e: {  	s7 =	smul.u32 @!p0 $0xF7A, s2;
	p2 =	seq.s32 @!p0 s5, $0x0  }
0x1f: {  	s9 =	smul.u32 $0xF7A, s1;
	s8 =	simm.s32 @!p0 $0x1BF5;
	p2 =	por !p2, p0  }
0x20: {  	[sflag:s8] =	ssyncset.s32 @!p0 $0xFFFFF086;
	s6 =	sadd.s32 @!p0 s3, s7;
	s7 =	simm.s32 @!p0 $0x108  }
0x21: {  	s3 =	sadd.s32 s3, s9;
	s6 =	sadd.s32 @!p0 $0x88, s6;
	s7 =	simm.s32 @p2 $0x1082  }
0x22: {  	[simem:s7], [sflag:s8] =	dma.local @!p0 [hbm:s6], $0xF7A  }
0x23: {  	s9 =	sor.u32 $0xD0000000, s2;
	s6 =	simm.s32 $0x108;
	_ =	swait.ge @!p0 [sflag:s8], $0x0  }
0x24: {  	s3 =	sadd.s32 $0x88, s3;
	s6 =	simm.s32 @!p1 $0x1082;
	[sflag:s4] =	ssyncset.s32 $0xFFFFF086  }
0x25: {  	[simem:s6], [sflag:s4] =	dma.local [hbm:s3], $0xF7A  }
0x26: {  	[smem:$0x3F9B] =	sst s1;
	(tag) =	ssettag s2;
	_ =	strace s9  }
0x27: {  	s1 =	sld [smem:$0x3FAB]  }
0x28: {  	s2 =	sld [smem:$0x3FAC]  }
0x29: {  	s4 =	sld [smem:$0x3FAE]  }
0x2a: {  	p0 =	seq.s32 s5, $0x0;
	s5 =	sld [smem:$0x3FAF]  }
0x2b: {  	s6 =	sld [smem:$0x3FB0]  }
0x2c: {  	s7 =	sld [smem:$0x3FB1]  }
0x2d: {  	s3 =	simm.s32 $0x108;
	s8 =	sld [smem:$0x3FB2]  }
0x2e: {  	s3 =	simm.s32 @!p0 $0x1082;
	s9 =	sld [smem:$0x3FB3]  }
0x2f: {  	lr =	sadd.s32 s0, s3;
	s0 =	sld [smem:$0x3FAA]  }
0x30: {  	s3 =	sld [smem:$0x3FAD]  }
0x31: {  	[smem:$0x3FB6] =	sst s10  }
0x32: {  	s10 =	sld [smem:$0x3FB4];
	_ =	sdelay $0x3  }
0x33: {  	p0 =	seq.s32 s10, $0x1;
	s10 =	sld [smem:$0x3FB6];
	_ =	sdelay $0x3  }
0x34: {  	[smem:$0x3FB6] =	sst s10  }
0x35: {  	s10 =	sld [smem:$0x3FB5];
	_ =	sdelay $0x3  }
0x36: {  	p1 =	seq.s32 s10, $0x1;
	s10 =	sld [smem:$0x3FB6];
	_ =	sdelay $0x3  }
0x37: {  	[smem:$0x3FB6] =	sst s10  }
0x38: {  	s10 =	sld [smem:$0x3FB7]  }
0x39: {  	_ = 	snop;
	(pc) =	sbr.ind lr, $3  }
0x3a: {  	_ = 	snop  }
0x3b: {  	_ = 	snop  }
0x3c: {  	p2 =	seq.s32 s10, $0x1;
	s10 =	sld [smem:$0x3FB6]  }
0x3d: {  	_ =	shalt  }
0x3e: {  	_ =	shalt  }
0x3f: {  	_ =	shalt  }
0x40: {  	_ =	shalt  }
0x41: {  	_ =	shalt  }
0x42: {  	_ =	shalt  }
0x43: {  	_ =	shalt  }
0x44: {  	_ =	shalt  }
0x45: {  	_ =	shalt  }
0x46: {  	_ =	shalt  }
0x47: {  	_ =	shalt  }
0x48: {  	_ =	shalt  }
0x49: {  	_ =	shalt  }
0x4a: {  	_ =	shalt  }
0x4b: {  	_ =	shalt  }
0x4c: {  	_ =	shalt  }
0x4d: {  	_ =	shalt  }
0x4e: {  	_ =	shalt  }
0x4f: {  	_ =	shalt  }
0x50: {  	_ =	shalt  }
0x51: {  	_ =	shalt  }
0x52: {  	_ =	shalt  }
0x53: {  	_ =	shalt  }
0x54: {  	_ =	shalt  }
0x55: {  	_ =	shalt  }
0x56: {  	_ =	shalt  }
0x57: {  	_ =	shalt  }
0x58: {  	_ =	shalt  }
0x59: {  	_ =	shalt  }
0x5a: {  	_ =	shalt  }
0x5b: {  	_ =	shalt  }
0x5c: {  	_ =	shalt  }
0x5d: {  	_ =	shalt  }
0x5e: {  	_ =	shalt  }
0x5f: {  	_ =	shalt  }
0x60: {  	_ =	shalt  }
0x61: {  	_ =	shalt  }
0x62: {  	_ =	shalt  }
0x63: {  	_ =	shalt  }
0x64: {  	_ =	shalt  }
0x65: {  	_ =	shalt  }
0x66: {  	_ =	shalt  }
0x67: {  	_ =	shalt  }
0x68: {  	_ =	shalt  }
0x69: {  	_ =	shalt  }
0x6a: {  	_ =	shalt  }
0x6b: {  	_ =	shalt  }
0x6c: {  	_ =	shalt  }
0x6d: {  	_ =	shalt  }
0x6e: {  	_ =	shalt  }
0x6f: {  	_ =	shalt  }
0x70: {  	_ =	shalt  }
0x71: {  	_ =	shalt  }
0x72: {  	_ =	shalt  }
0x73: {  	_ =	shalt  }
0x74: {  	_ =	shalt  }
0x75: {  	_ =	shalt  }
0x76: {  	_ =	shalt  }
0x77: {  	_ =	shalt  }
0x78: {  	_ =	shalt  }
0x79: {  	_ =	shalt  }
0x7a: {  	_ =	shalt  }
0x7b: {  	_ =	shalt  }
0x7c: {  	_ =	shalt  }
0x7d: {  	_ =	shalt  }
0x7e: {  	_ =	shalt  }
0x7f: {  	_ =	shalt  }
0x80: {  	_ =	shalt  }
0x81: {  	_ =	shalt  }
0x82: {  	_ =	shalt  }
0x83: {  	_ =	shalt  }
0x84: {  	_ =	shalt  }
0x85: {  	_ =	shalt  }
0x86: {  	_ =	shalt  }
0x87: {  	_ =	shalt  }
.Lfunc_end0:
.L_simem_size_0:
called_computation_lowered:
.L_overlay_start_0:
0x88: {  	s2 =	sld [smem:$0x3FD9]  }
0x89: {  	s3 =	sld [smem:$0x3FFE];
	_ =	sdelay $0x1  }
0x8a: {  	s1 =	srdreg.scid  }
0x8b: {  	s0 =	sand.u32 $0x1, s1  }
0x8c: {  	s17 =	sshll.u32 s0, $0xA;
	s2 =	sadd.s32 s3, s2  }
0x8d: {  	s2 =	sadd.s32 s2, s17  }
0x8e: {  	[smem:$0x3FC2] =	sst s2  }
0x8f: {  	_ = 	snop  }
0x90: {  	s2 =	sld [smem:$0x3FC9]  }
0x91: {  	s18 =	sld [smem:$0x3FD0];
	(tm) =	ssettm $0x1  }
0x92: {  	s4 =	sld [smem:$0x3FFB];
	_ =	sdelay $0x3  }
0x93: {  	_ =	strace s4  }
0x94: {  	s4 =	sld [smem:$0x3FFC];
	_ =	sdelay $0x3  }
0x95: {  	_ =	strace s4  }
0x96: {  	s4 =	sld [smem:$0x3FFD];
	_ =	sdelay $0x3  }
0x97: {  	_ =	strace s4  }
0x98: {  	_ =	strace $0x8FFFFFFF  }
0x99: {  	s19 =	sld [smem:$0x3FDB];
	_ =	sdelay $0x1  }
0x9a: {  	s5 =	simm.s32 $_scs_section_size  }
0x9b: {  	s6 =	simm.s32 $_size__tile_overlayer_lowered;
	s7 =	simm.s32 $_tile_overlayer_lowered  }
0x9c: {  	s22 =	simm.s32 $0x1BFF;
	s21 =	sshll.u32 s7, $0x1;
	s4 =	sadd.s32 s5, s19  }
0x9d: {  	s8 =	simm.s32 $0x0;
	s20 =	sshll.u32 s6, $0x1;
	s6 =	sadd.s32 s21, s4  }
0x9e: {  	[timem:s8], [sflag:s22] =	dma.local [hbm:s6], s20  }
0x9f: {  	_ =	swait.ge [sflag:s22], s20  }
0xa0: {  	s5 =	ssub.s32 $0x0, s20;
	[sflag:s22] =	ssyncset.done $0x0  }
0xa1: {  	[sflag:s22] =	ssyncadd.s32 s5;
	_ =	sdelay $0x1  }
0xa2: {  	s23 =	simm.s32 $0x1B8B  }
0xa3: {  	_ =	swait.ge [sflag:s23], $0x1  }
0xa4: {  	[sflag:s23] =	ssyncset.done $0x0  }
0xa5: {  	s25 =	simm.s32 $0x1B8E;
	s24 =	sld [smem:$0x3FFE];
	[sflag:s23] =	ssyncadd.s32 $0xFFFFFFFF  }
0xa6: {  	s26 =	simm.s32 $execute0_lowered;
	[smem:$0x3FD2] =	sst s25  }
0xa7: {  	s6 =	sshll.u32 s26, $0x1;
	_ =	strace $0x80000046;
	[dreg:$0x1] =	wrdreg $0xFFFFFFFF  }
0xa8: {  	s28 =	simm.s32 $_size_execute0_lowered;
	s4 =	sadd.s32 s4, s6;
	[dreg:$0x0] =	wrdreg $0x0  }
0xa9: {  	s6 =	sshll.u32 s28, $0x1;
	[dreg:$0x2] =	wrdreg s4  }
0xaa: {  	[dreg:$0x3] =	wrdreg s6  }
0xab: {  	[dreg:$0x4] =	wrdreg $0xC0  }
0xac: {  	_ =	task [dreg:s8], $0x5FFFF  }
0xad: {  	[dreg:$0x1] =	wrdreg $0xFFFFFFFF  }
0xae: {  	[dreg:$0x0] =	wrdreg $0x60  }
0xaf: {  	[dreg:$0x2] =	wrdreg s24  }
0xb0: {  	[dreg:$0x3] =	wrdreg s2  }
0xb1: {  	[dreg:$0x4] =	wrdreg s18  }
0xb2: {  	[dreg:$0x5] =	wrdreg $0x102000  }
0xb3: {  	[dreg:$0x6] =	wrdreg $0x9  }
0xb4: {  	_ =	task.clear_ibuf [dreg:s8], $0x7FFFF;
	_ =	strace $0x90000046  }
0xb5: {  	s29 =	simm.s32 $0x9;
	_ =	strace $0x80000048  }
0xb6: {  	_ =	swait.ge [sflag:s29], $0x1  }
0xb7: {  	[sflag:s29] =	ssyncadd.s32 $0xFFFFFFFF  }
0xb8: {  	_ =	strace $0x90000048  }
0xb9: {  	_ =	sfence  }
0xba: {  	s30 =	sld [smem:$0x0];
	_ =	sdelay $0x2  }
0xbb: {  	s31 =	sshll.u32 s1, $0xD;
	s1 =	sshrl.u32 s1, $0x2  }
0xbc: {  	s3 =	sand.u32 $0x4000, s31;
	s1 =	sadd.s32 s1, s30  }
0xbd: {  	s0 =	sor.u32 s3, s0;
	s1 =	sshll.u32 s1, $0x11  }
0xbe: {  	s0 =	sor.u32 s1, s0  }
0xbf: {  	s0 =	sadd.s32 $0x8F2B, s0  }
0xc0: {  	[sflag:s0] =	ssyncadd.remote.s32 $0x1  }
0xc1: {  	_ =	sfence.sel $0xFFFF  }
0xc2: {  	[dreg:$0x0] =	wrdreg $0xFFFFFFFF;
	(pc) =	sbr.abs _section_cstart, $3  }
0xc3: {  	[dreg:$0x1] =	wrdreg $0xFFFFFFFF  }
0xc4: {  	_ =	task.clear_ibuf [dreg:s8], $0x2FFFF;
	_ =	strace $0x9FFFFFFF  }
0xc5: {  	(tm) =	ssettm $0x7FFFFFFF  }
tec
execute0_lowered:
.L_overlay_start_1:
0x0: {  	(tag) =	ssettag $0x1  }
0x1: {  	s3 =	rddreg [dreg:$0x0]  }
0x2: {  	s4 =	rddreg [dreg:$0x1]  }
0x3: {  	s5 =	rddreg [dreg:$0x2]  }
0x4: {  	s2 =	rddreg [dreg:$0x3]  }
0x5: {  	s25 =	rddreg [dreg:$0x4];
	s1 =	simm.s32 $0x0;
	s6 =	srdreg.scid  }
0x6: {  	s29 =	stileid.u32;
	s17 =	simm.s32 $0x80;
	s15 =	simm.s32 $0x200  }
0x7: {  	s13 =	simm.s32 $0x4200;
	s19 =	simm.s32 $0x100;
	s22 =	simm.s32 $0x180  }
0x8: {  	s20 =	simm.s32 $0x1;
	s18 =	simm.s32 $0x2;
	s6 =	sand.u32 $0x1, s6  }
0x9: {  	s16 =	simm.s32 $0x3;
	s14 =	simm.s32 $0x4;
	s7 =	ssub.s32 $0x2, s6  }
0xa: {  	s12 =	simm.s32 $0x5;
	p1 =	por $0x0, $0x0;
	s8 =	sshrl.u32 s7, $0x1  }
0xb: {  	[smem:$0x7FF] =	sst s1;
	s3 =	sadd.s32 $0x1000, s3;
	s8 =	ssub.s32 s7, s8  }
0xc: {  	s10 =	sshll.u32 s29, $0xE;
	s11 =	sshll.u32 s29, $0x7;
	s30 =	smax.u32 s8, $0x1  }
0xd: {  	p0 =	sne.s32 s29, $0x0;
	_ =	strace $0x80000047;
	s31 =	sadd.s32 $0xFFFFFFFF, s30  }
0xe: {  	[dreg:$0x5] =	wrdreg s3;
	s9 =	sshll.u32 s6, $0x6;
	p2 =	sne.s32 s31, $0x0  }
.Ltmp0:
0xf: {  	s6 =	sshll.u32 s6, $0xD;
	s23 =	sshrl.u32 @!p0 s2, $0x3;
	(pc) =	sbr.rel @!p2 .LBB2_5-.Ltmp0, $4  }
0x10: {  	s4 =	sadd.s32 s4, s9;
	s6 =	sor.u32 s6, s10;
	s10 =	simm.s32 $0x6  }
0x11: {  	s9 =	simm.s32 $0x7;
	s21 =	sadd.s32 s11, s4;
	s7 =	sadd.s32 s5, s6  }
0x12: {  	s11 =	simm.s32 $0x8200;
	s6 =	simm.s32 $0x8;
	s5 =	sadd.s32 $0x800, s7  }
0x13: {  	s4 =	sadd.s32 $0x1000, s7;
	s3 =	sadd.s32 $0x1800, s7;
	s8 =	simm.s32 $0xC200  }
0x14: {  	s24 =	simm.s32 @p0 $0x0;
	s25 =	simm.s32 @p0 $0xA  }
0x15: {  	[tilespmem:s24], [sflag:$0xA] =	stream.linear.gather @p0 [hbm4b:s21+s24], $0x200, $0x38;
	[tilespmem:$0x12140] =	vst v63  }
0x16: {  	_ =	swait.ge @p0 [sflag:s25], $0x200  }
0x17: {  	s26 =	simm.s32 @!p0 $0x1C09;
	s28 =	simm.s32 @!p0 $0x0;
	[sflag:s25] =	ssyncset.done @p0 $0x0  }
0x18: {  	s29 =	simm.s32 @!p0 $0xA;
	s30 =	rddreg [dreg:$0x5];
	[sflag:s25] =	ssyncadd.s32 @p0 $0xFFFFFE00  }
0x19: {  	[spmem:s23], [sflag:s26] =	dma.local @!p0 [hbm:s30], $0x3E80  }
0x1a: {  	[tilespmem:s28], [sflag:$0xA] =	stream.linear.gather @!p0 [hbm4b:s21+s28], $0x200, $0x38;
	[tilespmem:$0x12140] =	vst v63  }
0x1b: {  	_ =	swait.ge @!p0 [sflag:s29], $0x200  }
0x1c: {  	[sflag:s29] =	ssyncset.done @!p0 $0x0  }
0x1d: {  	s30 =	simm.s32 @!p0 $0x9;
	[sflag:s29] =	ssyncadd.s32 @!p0 $0xFFFFFE00  }
0x1e: {  	_ =	swait.ge @!p0 [sflag:s30], $0x3E80  }
0x1f: {  	[sflag:s30] =	ssyncset.done @!p0 $0x0  }
0x20: {  	[sflag:s30] =	ssyncadd.s32 @!p0 $0xFFFFC180  }
0x21: {  	[bflag:$0x0] =	sbarrier.arrive $0xFFFF  }
0x22: {  	[tilespmem:s15], [sflag:$0x1] =	stream.indirect.gather [spmem:s2], $0x80, s1, s17, $0xb8;
	[tilespmem:$0x12140] =	vst v63  }
0x23: {  	_ = 	snop  }
0x24: {  	[tilespmem:s13], [sflag:$0x2] =	stream.indirect.gather [spmem:s2], $0x80, s17, s17, $0xb8;
	[tilespmem:$0x12140] =	vst v63  }
0x25: {  	_ = 	snop  }
0x26: {  	[tilespmem:s11], [sflag:$0x3] =	stream.indirect.gather [spmem:s2], $0x80, s19, s17, $0xb8;
	[tilespmem:$0x12140] =	vst v63  }
0x27: {  	_ = 	snop  }
0x28: {  	[tilespmem:s8], [sflag:$0x4] =	stream.indirect.gather [spmem:s2], $0x80, s22, s17, $0xb8;
	[tilespmem:$0x12140] =	vst v63  }
0x29: {  	_ =	swait.ge [sflag:s20], $0x4000  }
0x2a: {  	[sflag:s20] =	ssyncset.done $0x0  }
0x2b: {  	[sflag:s20] =	ssyncadd.s32 $0xFFFFC000  }
0x2c: {  	[hbm4b:s7+s1] =	stream.linear.scatter [tilespmem:s15], [sflag:$0x5], $0x4000, $0x38;
	[tilespmem:$0x12140] =	vst v63  }
0x2d: {  	_ =	swait.ge [sflag:s18], $0x4000  }
0x2e: {  	[sflag:s18] =	ssyncset.done $0x0  }
0x2f: {  	[sflag:s18] =	ssyncadd.s32 $0xFFFFC000  }
0x30: {  	[hbm4b:s5+s1] =	stream.linear.scatter [tilespmem:s13], [sflag:$0x6], $0x4000, $0x38;
	[tilespmem:$0x12140] =	vst v63  }
0x31: {  	_ =	swait.ge [sflag:s16], $0x4000  }
0x32: {  	[sflag:s16] =	ssyncset.done $0x0  }
0x33: {  	[sflag:s16] =	ssyncadd.s32 $0xFFFFC000  }
0x34: {  	[hbm4b:s4+s1] =	stream.linear.scatter [tilespmem:s11], [sflag:$0x7], $0x4000, $0x38;
	[tilespmem:$0x12140] =	vst v63  }
0x35: {  	_ =	swait.ge [sflag:s14], $0x4000  }
0x36: {  	[sflag:s14] =	ssyncset.done $0x0  }
0x37: {  	[sflag:s14] =	ssyncadd.s32 $0xFFFFC000  }
0x38: {  	[hbm4b:s3+s1] =	stream.linear.scatter [tilespmem:s8], [sflag:$0x8], $0x4000, $0x38;
	[tilespmem:$0x12140] =	vst v63  }
0x39: {  	_ =	swait.ge [sflag:s12], $0x4000  }
0x3a: {  	[sflag:s12] =	ssyncset.done $0x0  }
0x3b: {  	[sflag:s12] =	ssyncadd.s32 $0xFFFFC000  }
0x3c: {  	_ =	swait.ge [sflag:s10], $0x4000  }
0x3d: {  	s31 =	sadd.s32 $0xFFFFFFFF, s31;
	[sflag:s10] =	ssyncset.done $0x0  }
0x3e: {  	p2 =	sne.s32 s31, $0x0;
	[sflag:s10] =	ssyncadd.s32 $0xFFFFC000  }
.Ltmp1:
0x3f: {  	_ =	swait.ge [sflag:s9], $0x4000;
	(pc) =	sbr.rel @!p2 .LBB2_2-.Ltmp1, $4  }
0x40: {  	[sflag:s9] =	ssyncset.done $0x0  }
0x41: {  	[sflag:s9] =	ssyncadd.s32 $0xFFFFC000  }
0x42: {  	_ =	swait.ge [sflag:s6], $0x4000  }
0x43: {  	p1 =	por $0x1, $0x1;
	[sflag:s6] =	ssyncset.done $0x0  }
.LBB2_3:
0x44: {  	[sflag:s6] =	ssyncadd.s32 $0xFFFFC000  }
0x45: {  	[tilespmem:s24], [sflag:$0xA] =	stream.linear.gather @p0 [hbm4b:s21+s24], $0x200, $0x38;
	[tilespmem:$0x12140] =	vst v63  }
0x46: {  	_ =	swait.ge @p0 [sflag:s25], $0x200  }
0x47: {  	[sflag:s25] =	ssyncset.done @p0 $0x0  }
0x48: {  	s0 =	rddreg [dreg:$0x5];
	[sflag:s25] =	ssyncadd.s32 @p0 $0xFFFFFE00  }
0x49: {  	[spmem:s23], [sflag:s26] =	dma.local @!p0 [hbm:s0], $0x3E80  }
0x4a: {  	[tilespmem:s28], [sflag:$0xA] =	stream.linear.gather @!p0 [hbm4b:s21+s28], $0x200, $0x38;
	[tilespmem:$0x12140] =	vst v63  }
0x4b: {  	_ =	swait.ge @!p0 [sflag:s29], $0x200  }
0x4c: {  	[sflag:s29] =	ssyncset.done @!p0 $0x0  }
0x4d: {  	[sflag:s29] =	ssyncadd.s32 @!p0 $0xFFFFFE00  }
0x4e: {  	_ =	swait.ge @!p0 [sflag:s30], $0x3E80  }
0x4f: {  	[sflag:s30] =	ssyncset.done @!p0 $0x0  }
0x50: {  	[sflag:s30] =	ssyncadd.s32 @!p0 $0xFFFFC180  }
0x51: {  	[bflag:$0x0] =	sbarrier.arrive $0xFFFF  }
0x52: {  	[tilespmem:s15], [sflag:$0x1] =	stream.indirect.gather [spmem:s2], $0x80, s1, s17, $0xb8;
	[tilespmem:$0x12140] =	vst v63  }
0x53: {  	_ = 	snop  }
0x54: {  	[tilespmem:s13], [sflag:$0x2] =	stream.indirect.gather [spmem:s2], $0x80, s17, s17, $0xb8;
	[tilespmem:$0x12140] =	vst v63  }
0x55: {  	_ = 	snop  }
0x56: {  	[tilespmem:s11], [sflag:$0x3] =	stream.indirect.gather [spmem:s2], $0x80, s19, s17, $0xb8;
	[tilespmem:$0x12140] =	vst v63  }
0x57: {  	_ = 	snop  }
0x58: {  	[tilespmem:s8], [sflag:$0x4] =	stream.indirect.gather [spmem:s2], $0x80, s22, s17, $0xb8;
	[tilespmem:$0x12140] =	vst v63  }
0x59: {  	_ =	swait.ge [sflag:s20], $0x4000  }
0x5a: {  	[sflag:s20] =	ssyncset.done $0x0  }
0x5b: {  	[sflag:s20] =	ssyncadd.s32 $0xFFFFC000  }
0x5c: {  	[hbm4b:s7+s1] =	stream.linear.scatter [tilespmem:s15], [sflag:$0x5], $0x4000, $0x38;
	[tilespmem:$0x12140] =	vst v63  }
0x5d: {  	_ =	swait.ge [sflag:s18], $0x4000  }
0x5e: {  	[sflag:s18] =	ssyncset.done $0x0  }
0x5f: {  	[sflag:s18] =	ssyncadd.s32 $0xFFFFC000  }
0x60: {  	[hbm4b:s5+s1] =	stream.linear.scatter [tilespmem:s13], [sflag:$0x6], $0x4000, $0x38;
	[tilespmem:$0x12140] =	vst v63  }
0x61: {  	_ =	swait.ge [sflag:s16], $0x4000  }
0x62: {  	[sflag:s16] =	ssyncset.done $0x0  }
0x63: {  	[sflag:s16] =	ssyncadd.s32 $0xFFFFC000  }
0x64: {  	[hbm4b:s4+s1] =	stream.linear.scatter [tilespmem:s11], [sflag:$0x7], $0x4000, $0x38;
	[tilespmem:$0x12140] =	vst v63  }
0x65: {  	_ =	swait.ge [sflag:s14], $0x4000  }
0x66: {  	[sflag:s14] =	ssyncset.done $0x0  }
0x67: {  	[sflag:s14] =	ssyncadd.s32 $0xFFFFC000  }
0x68: {  	[hbm4b:s3+s1] =	stream.linear.scatter [tilespmem:s8], [sflag:$0x8], $0x4000, $0x38;
	[tilespmem:$0x12140] =	vst v63  }
0x69: {  	_ =	swait.ge [sflag:s12], $0x4000  }
0x6a: {  	[sflag:s12] =	ssyncset.done $0x0  }
0x6b: {  	[sflag:s12] =	ssyncadd.s32 $0xFFFFC000  }
0x6c: {  	_ =	swait.ge [sflag:s10], $0x4000  }
0x6d: {  	s31 =	sadd.s32 $0xFFFFFFFF, s31;
	[sflag:s10] =	ssyncset.done $0x0  }
0x6e: {  	p2 =	sne.s32 s31, $0x0;
	[sflag:s10] =	ssyncadd.s32 $0xFFFFC000  }
.Ltmp2:
0x6f: {  	_ =	swait.ge [sflag:s9], $0x4000;
	(pc) =	sbr.rel @p2 .LBB2_3-.Ltmp2, $4  }
0x70: {  	[sflag:s9] =	ssyncset.done $0x0  }
0x71: {  	[sflag:s9] =	ssyncadd.s32 $0xFFFFC000  }
0x72: {  	_ =	swait.ge [sflag:s6], $0x4000  }
0x73: {  	[sflag:s6] =	ssyncset.done $0x0  }
0x74: {  	s25 =	rddreg [dreg:$0x4]  }
.LBB2_5:
0x75: {  	s0 =	simm.s32 @p0 $0x0;
	s24 =	simm.s32 @p0 $0xA;
	[sflag:s6] =	ssyncadd.s32 @p1 $0xFFFFC000  }
0x76: {  	[tilespmem:s0], [sflag:$0xA] =	stream.linear.gather @p0 [hbm4b:s21+s0], $0x200, $0x38;
	[tilespmem:$0x12140] =	vst v63  }
0x77: {  	_ =	swait.ge @p0 [sflag:s24], $0x200  }
0x78: {  	[sflag:s24] =	ssyncset.done @p0 $0x0  }
0x79: {  	s0 =	rddreg [dreg:$0x5];
	[sflag:s24] =	ssyncadd.s32 @p0 $0xFFFFFE00;
	s24 =	simm.s32 @!p0 $0x1C09  }
0x7a: {  	[spmem:s23], [sflag:s24] =	dma.local @!p0 [hbm:s0], $0x3E80  }
0x7b: {  	s0 =	simm.s32 @!p0 $0x0  }
0x7c: {  	[tilespmem:s0], [sflag:$0xA] =	stream.linear.gather @!p0 [hbm4b:s21+s0], $0x200, $0x38;
	[tilespmem:$0x12140] =	vst v63  }
0x7d: {  	s0 =	simm.s32 @!p0 $0xA  }
0x7e: {  	_ =	swait.ge @!p0 [sflag:s0], $0x200  }
0x7f: {  	[sflag:s0] =	ssyncset.done @!p0 $0x0  }
0x80: {  	[sflag:s0] =	ssyncadd.s32 @!p0 $0xFFFFFE00;
	s0 =	simm.s32 @!p0 $0x9  }
0x81: {  	_ =	swait.ge @!p0 [sflag:s0], $0x3E80  }
0x82: {  	[sflag:s0] =	ssyncset.done @!p0 $0x0  }
0x83: {  	[sflag:s0] =	ssyncadd.s32 @!p0 $0xFFFFC180  }
0x84: {  	[bflag:$0x0] =	sbarrier.arrive $0xFFFF  }
0x85: {  	[tilespmem:s15], [sflag:$0x1] =	stream.indirect.gather [spmem:s2], $0x80, s1, s17, $0xb8;
	[tilespmem:$0x12140] =	vst v63  }
0x86: {  	_ = 	snop  }
0x87: {  	[tilespmem:s13], [sflag:$0x2] =	stream.indirect.gather [spmem:s2], $0x80, s17, s17, $0xb8;
	[tilespmem:$0x12140] =	vst v63  }
0x88: {  	_ = 	snop  }
0x89: {  	[tilespmem:s11], [sflag:$0x3] =	stream.indirect.gather [spmem:s2], $0x80, s19, s17, $0xb8;
	[tilespmem:$0x12140] =	vst v63  }
0x8a: {  	_ = 	snop  }
0x8b: {  	[tilespmem:s8], [sflag:$0x4] =	stream.indirect.gather [spmem:s2], $0x80, s22, s17, $0xb8;
	[tilespmem:$0x12140] =	vst v63  }
0x8c: {  	_ =	swait.ge [sflag:s20], $0x4000  }
0x8d: {  	[sflag:s20] =	ssyncset.done $0x0  }
0x8e: {  	[sflag:s20] =	ssyncadd.s32 $0xFFFFC000  }
0x8f: {  	[hbm4b:s7+s1] =	stream.linear.scatter [tilespmem:s15], [sflag:$0x5], $0x4000, $0x38;
	[tilespmem:$0x12140] =	vst v63  }
0x90: {  	_ =	swait.ge [sflag:s18], $0x4000  }
0x91: {  	[sflag:s18] =	ssyncset.done $0x0  }
0x92: {  	[sflag:s18] =	ssyncadd.s32 $0xFFFFC000  }
0x93: {  	[hbm4b:s5+s1] =	stream.linear.scatter [tilespmem:s13], [sflag:$0x6], $0x4000, $0x38;
	[tilespmem:$0x12140] =	vst v63  }
0x94: {  	_ =	swait.ge [sflag:s16], $0x4000  }
0x95: {  	[sflag:s16] =	ssyncset.done $0x0  }
0x96: {  	[sflag:s16] =	ssyncadd.s32 $0xFFFFC000  }
0x97: {  	[hbm4b:s4+s1] =	stream.linear.scatter [tilespmem:s11], [sflag:$0x7], $0x4000, $0x38;
	[tilespmem:$0x12140] =	vst v63  }
0x98: {  	_ =	swait.ge [sflag:s14], $0x4000  }
0x99: {  	[sflag:s14] =	ssyncset.done $0x0  }
0x9a: {  	[sflag:s14] =	ssyncadd.s32 $0xFFFFC000  }
0x9b: {  	[hbm4b:s3+s1] =	stream.linear.scatter [tilespmem:s8], [sflag:$0x8], $0x4000, $0x38;
	[tilespmem:$0x12140] =	vst v63  }
0x9c: {  	_ =	swait.ge [sflag:s12], $0x4000  }
0x9d: {  	[sflag:s12] =	ssyncset.done $0x0  }
0x9e: {  	[sflag:s12] =	ssyncadd.s32 $0xFFFFC000  }
0x9f: {  	_ =	swait.ge [sflag:s10], $0x4000  }
0xa0: {  	[sflag:s10] =	ssyncset.done $0x0  }
0xa1: {  	[sflag:s10] =	ssyncadd.s32 $0xFFFFC000  }
0xa2: {  	_ =	swait.ge [sflag:s9], $0x4000  }
0xa3: {  	[sflag:s9] =	ssyncset.done $0x0  }
0xa4: {  	[sflag:s9] =	ssyncadd.s32 $0xFFFFC000  }
0xa5: {  	_ =	swait.ge [sflag:s6], $0x4000  }
0xa6: {  	[sflag:s6] =	ssyncset.done $0x0  }
0xa7: {  	[sflag:s6] =	ssyncadd.s32 $0xFFFFC000  }
0xa8: {  	_ =	sfence.sel $0x180000  }
0xa9: {  	[bflag:$0x0] =	sbarrier.arrive $0xFFFF  }
0xaa: {  	_ =	strace $0x90000047  }
0xab: {  	s0 =	sadd.s32 @!p0 $0x100000, s25;
	[bflag:$0x2] =	sbarrier.arrive $0xFFFF  }
0xac: {  	[sflag:s0] =	ssyncadd.tile.s32 @!p0 $0x1;
	_ =	shalt  }
.LBB2_2:
.Ltmp3:
0xad: {  	(pc) =	sbr.rel .LBB2_5-.Ltmp3, $2  }
0xae: {  	_ =	sdelay $0x2  }
0xaf: {  	s25 =	rddreg [dreg:$0x4]  }
.Lfunc_end2:
_tile_overlayer_lowered:
.L_overlay_start_2:
0xb0: {  	(tag) =	ssettag $0x2  }
0xb1: {  	s0 =	rddreg [dreg:$0x0];
	s2 =	stileid.u32  }
0xb2: {  	s1 =	rddreg [dreg:$0x1];
	p0 =	sne.s32 s2, $0x0  }
0xb3: {  	s3 =	rddreg [dreg:$0x2];
	[bflag:$0x3] =	sbarrier.arrive $0xFFFF;
	s2 =	simm.s32 @!p0 $0x1C0A  }
0xb4: {  	[timem:s3], [sflag:s2] =	dma.local @!p0 [hbm:s0], s1  }
0xb5: {  	s0 =	simm.s32 @!p0 $0xA  }
0xb6: {  	_ =	swait.ge @!p0 [sflag:s0], s1  }
0xb7: {  	s1 =	ssub.s32 @!p0 $0x0, s1;
	[sflag:s0] =	ssyncset.done @!p0 $0x0  }
0xb8: {  	[sflag:s0] =	ssyncadd.s32 @!p0 s1  }
0xb9: {  	[bflag:$0x3] =	sbarrier.arrive $0xFFFF  }
0xba: {  	_ =	shalt  }

</sc_bundles>
